<compile_context>
chip_gen: v7x
topology: tpu7x:2x2x1
jax: 0.10.2.dev20260603
libtpu: 0.0.44.dev20260713+nightly
codegen_flags: <defaults>
</compile_context>

<pallas_src>
import jax
import jax.numpy as jnp
from jax import lax
from jax.experimental import pallas as pl
from jax.experimental.pallas import tpu as pltpu
from jax.experimental.pallas import tpu_sc as plsc

_C, _T, _H, _W = 3, 64, 256, 256
_S = _T // 4
_NW = 32
_NP = _C * _S
_CH = _H // 2
_RING = 3


def _sc_slow_body(frames_ref, slow_ref, *scratch):
    bufs = scratch[:_RING]
    sin = scratch[_RING:2 * _RING]
    sout = scratch[2 * _RING:3 * _RING]
    wid = lax.axis_index("s") * 2 + lax.axis_index("c")

    def info(k):
        p = wid + _NW * (k // 2)
        c = lax.div(p, _S)
        s = lax.rem(p, _S)
        t = lax.div(s * (_T - 1), _S - 1)
        valid = p < _NP
        return c, s, t, (k // 2) * 0 + (k % 2) * _CH, valid

    def in_copy(k):
        c, _, t, row, _ = info(k)
        return pltpu.make_async_copy(
            frames_ref.at[c, t, pl.ds(row, _CH), :],
            bufs[k % _RING],
            sin[k % _RING],
        )

    def out_copy(k):
        c, s, _, row, _ = info(k)
        return pltpu.make_async_copy(
            bufs[k % _RING],
            slow_ref.at[c, s, pl.ds(row, _CH), :],
            sout[k % _RING],
        )

    def when_valid(k, mk):
        @pl.when(info(k)[4])
        def _():
            mk(k)

    for k in range(3):
        when_valid(k, lambda k: in_copy(k).start())
    for k in range(4):
        when_valid(k, lambda k: in_copy(k).wait())
        when_valid(k, lambda k: out_copy(k).start())
        if k == 2:
            when_valid(0, lambda k: out_copy(k).wait())
            when_valid(3, lambda k: in_copy(k).start())
    for k in range(1, 4):
        when_valid(k, lambda k: out_copy(k).wait())


_FPB = 32


def _tc_fast_body(x_ref, o_ref):
    o_ref[...] = x_ref[...]


def kernel(frames):
    C, T, H, W = frames.shape
    mesh = plsc.VectorSubcoreMesh(core_axis_name="c", subcore_axis_name="s")
    sc_scratch = (
        [pltpu.VMEM((_CH, W), jnp.float32) for _ in range(_RING)]
        + [pltpu.SemaphoreType.DMA for _ in range(2 * _RING)]
    )
    slow = pl.kernel(
        _sc_slow_body,
        out_type=jax.ShapeDtypeStruct((C, T // 4, H, W), frames.dtype),
        mesh=mesh,
        scratch_types=sc_scratch,
    )(frames)

    fast = pl.pallas_call(
        _tc_fast_body,
        grid=(C, T // _FPB),
        in_specs=[pl.BlockSpec((1, _FPB, H, W), lambda c, b: (c, b, 0, 0))],
        out_specs=pl.BlockSpec((1, _FPB, H, W), lambda c, b: (c, b, 0, 0)),
        out_shape=jax.ShapeDtypeStruct((C, T, H, W), frames.dtype),
    )(frames)
    return (slow, fast)

# --- scband reference (transcript-rebuilt; emitter-appended) ---
"""Pipeline reference for scband-pack-pathway-37692632989951 (READ-ONLY COPY).

The authoritative reference and input builder live on the scoring server;
editing this copy changes nothing except your own understanding.
"""

import jax, jax.numpy as jnp
import numpy as np

def setup_inputs(seed: int = 0) -> dict:
    key = jax.random.key(seed)
    frames = jax.random.normal(key, (3, 64, 256, 256), dtype=jnp.float32)
    return {"frames": frames}

def reference(frames):
    T = frames.shape[1]
    idx = jnp.linspace(0.0, T - 1, T // 4).astype(jnp.int64)
    slow_pathway = jnp.take(frames, idx, axis=1)
    fast_pathway = frames
    return (slow_pathway, fast_pathway)

if __name__ == "__main__":
    import jax
    _d = setup_inputs()
    print(jax.jit(kernel)(*tuple(_d.values())))

</pallas_src>

<mosaic_0001>
#map = affine_map<(d0, d1) -> (0, 0, 0, 0)>
module attributes {stable_mosaic.version = 14 : i64} {
  func.func @_sc_slow_body(%arg0: i32, %arg1: i32, %arg2: memref<3x64x256x256xf32, #tpu.memory_space<hbm>>, %arg3: memref<3x16x256x256xf32, #tpu.memory_space<hbm>>, %arg4: memref<128x256xf32, #tpu.memory_space<vmem>>, %arg5: memref<128x256xf32, #tpu.memory_space<vmem>>, %arg6: memref<128x256xf32, #tpu.memory_space<vmem>>, %arg7: memref<!tpu.dma_semaphore, #tpu.memory_space<semaphore_mem>>, %arg8: memref<!tpu.dma_semaphore, #tpu.memory_space<semaphore_mem>>, %arg9: memref<!tpu.dma_semaphore, #tpu.memory_space<semaphore_mem>>, %arg10: memref<!tpu.dma_semaphore, #tpu.memory_space<semaphore_mem>>, %arg11: memref<!tpu.dma_semaphore, #tpu.memory_space<semaphore_mem>>, %arg12: memref<!tpu.dma_semaphore, #tpu.memory_space<semaphore_mem>>) attributes {dimension_semantics = [#tpu.dimension_semantics<core_parallel>, #tpu.dimension_semantics<subcore_parallel>], iteration_bounds = array<i64: 2, 16>, scalar_prefetch = 0 : i64, scratch_operands = 9 : i64, tpu.core_type = #tpu.core_type<sc_vector_subcore>, window_params = [{transform_indices = #map}, {transform_indices = #map}]} {
    %mul3A = arith.constant 2 : i32
    %mul3A_0 = arith.muli %arg1, %mul3A : i32
    %add3A = arith.addi %mul3A_0, %arg0 : i32
    %add3A_1 = arith.constant 0 : i32
    %add3A_2 = arith.addi %add3A, %add3A_1 : i32
    %div3A = arith.constant 16 : i32
    %div3A_3 = arith.divsi %add3A_2, %div3A : i32
    %rem3A = arith.constant 16 : i32
    %rem3A_4 = arith.remsi %add3A_2, %rem3A : i32
    %mul3A_5 = arith.constant 63 : i32
    %mul3A_6 = arith.muli %rem3A_4, %mul3A_5 : i32
    %div3A_7 = arith.constant 15 : i32
    %div3A_8 = arith.divsi %mul3A_6, %div3A_7 : i32
    %lt3A = arith.constant 48 : i32
    %lt3A_9 = arith.cmpi slt, %add3A_2, %lt3A : i32
    %convert_element_type3A = arith.extui %lt3A_9 : i1 to i32
    %cond3A = arith.constant 0 : i32
    %cond3A_10 = arith.cmpi ne, %convert_element_type3A, %cond3A : i32
    scf.if %cond3A_10 {
      %add3A_236 = arith.constant 0 : i32
      %add3A_237 = arith.addi %add3A, %add3A_236 : i32
      %div3A_238 = arith.constant 16 : i32
      %div3A_239 = arith.divsi %add3A_237, %div3A_238 : i32
      %rem3A_240 = arith.constant 16 : i32
      %rem3A_241 = arith.remsi %add3A_237, %rem3A_240 : i32
      %mul3A_242 = arith.constant 63 : i32
      %mul3A_243 = arith.muli %rem3A_241, %mul3A_242 : i32
      %div3A_244 = arith.constant 15 : i32
      %div3A_245 = arith.divsi %mul3A_243, %div3A_244 : i32
      %lt3A_246 = arith.constant 48 : i32
      %lt3A_247 = arith.cmpi slt, %add3A_237, %lt3A_246 : i32
      %dma_start3A = arith.constant 0 : i32
      %dma_start3A_248 = arith.constant 0 : i32
      %dma_start3A_249 = tpu.memref_slice %arg2[%div3A_239, %div3A_245, %dma_start3A, %dma_start3A_248] : memref<3x64x256x256xf32, #tpu.memory_space<hbm>> -> memref<1x1x128x256xf32, #tpu.memory_space<hbm>>
      %dma_start3A_250 = tpu.memref_squeeze %dma_start3A_249 : memref<1x1x128x256xf32, #tpu.memory_space<hbm>> -> memref<128x256xf32, #tpu.memory_space<hbm>>
      %dma_start3A_251 = arith.constant 0 : i32
      %dma_start3A_252 = arith.constant 0 : i32
      %dma_start3A_253 = tpu.memref_slice %arg2[%div3A_239, %div3A_245, %dma_start3A_251, %dma_start3A_252] : memref<3x64x256x256xf32, #tpu.memory_space<hbm>> -> memref<1x1x128x256xf32, #tpu.memory_space<hbm>>
      %dma_start3A_254 = tpu.memref_squeeze %dma_start3A_253 : memref<1x1x128x256xf32, #tpu.memory_space<hbm>> -> memref<128x256xf32, #tpu.memory_space<hbm>>
      tpu.enqueue_dma source(%dma_start3A_254 : memref<128x256xf32, #tpu.memory_space<hbm>>) target(%arg4 : memref<128x256xf32, #tpu.memory_space<vmem>>) target_semaphore(%arg7 : memref<!tpu.dma_semaphore, #tpu.memory_space<semaphore_mem>>)
    } else {
    }
    %add3A_11 = arith.constant 0 : i32
    %add3A_12 = arith.addi %add3A, %add3A_11 : i32
    %div3A_13 = arith.constant 16 : i32
    %div3A_14 = arith.divsi %add3A_12, %div3A_13 : i32
    %rem3A_15 = arith.constant 16 : i32
    %rem3A_16 = arith.remsi %add3A_12, %rem3A_15 : i32
    %mul3A_17 = arith.constant 63 : i32
    %mul3A_18 = arith.muli %rem3A_16, %mul3A_17 : i32
    %div3A_19 = arith.constant 15 : i32
    %div3A_20 = arith.divsi %mul3A_18, %div3A_19 : i32
    %lt3A_21 = arith.constant 48 : i32
    %lt3A_22 = arith.cmpi slt, %add3A_12, %lt3A_21 : i32
    %convert_element_type3A_23 = arith.extui %lt3A_22 : i1 to i32
    %cond3A_24 = arith.constant 0 : i32
    %cond3A_25 = arith.cmpi ne, %convert_element_type3A_23, %cond3A_24 : i32
    scf.if %cond3A_25 {
      %add3A_236 = arith.constant 0 : i32
      %add3A_237 = arith.addi %add3A, %add3A_236 : i32
      %div3A_238 = arith.constant 16 : i32
      %div3A_239 = arith.divsi %add3A_237, %div3A_238 : i32
      %rem3A_240 = arith.constant 16 : i32
      %rem3A_241 = arith.remsi %add3A_237, %rem3A_240 : i32
      %mul3A_242 = arith.constant 63 : i32
      %mul3A_243 = arith.muli %rem3A_241, %mul3A_242 : i32
      %div3A_244 = arith.constant 15 : i32
      %div3A_245 = arith.divsi %mul3A_243, %div3A_244 : i32
      %lt3A_246 = arith.constant 48 : i32
      %lt3A_247 = arith.cmpi slt, %add3A_237, %lt3A_246 : i32
      %dma_start3A = arith.constant 128 : i32
      %dma_start3A_248 = arith.constant 0 : i32
      %dma_start3A_249 = tpu.memref_slice %arg2[%div3A_239, %div3A_245, %dma_start3A, %dma_start3A_248] : memref<3x64x256x256xf32, #tpu.memory_space<hbm>> -> memref<1x1x128x256xf32, #tpu.memory_space<hbm>>
      %dma_start3A_250 = tpu.memref_squeeze %dma_start3A_249 : memref<1x1x128x256xf32, #tpu.memory_space<hbm>> -> memref<128x256xf32, #tpu.memory_space<hbm>>
      %dma_start3A_251 = arith.constant 128 : i32
      %dma_start3A_252 = arith.constant 0 : i32
      %dma_start3A_253 = tpu.memref_slice %arg2[%div3A_239, %div3A_245, %dma_start3A_251, %dma_start3A_252] : memref<3x64x256x256xf32, #tpu.memory_space<hbm>> -> memref<1x1x128x256xf32, #tpu.memory_space<hbm>>
      %dma_start3A_254 = tpu.memref_squeeze %dma_start3A_253 : memref<1x1x128x256xf32, #tpu.memory_space<hbm>> -> memref<128x256xf32, #tpu.memory_space<hbm>>
      tpu.enqueue_dma source(%dma_start3A_254 : memref<128x256xf32, #tpu.memory_space<hbm>>) target(%arg5 : memref<128x256xf32, #tpu.memory_space<vmem>>) target_semaphore(%arg8 : memref<!tpu.dma_semaphore, #tpu.memory_space<semaphore_mem>>)
    } else {
    }
    %add3A_26 = arith.constant 32 : i32
    %add3A_27 = arith.addi %add3A, %add3A_26 : i32
    %div3A_28 = arith.constant 16 : i32
    %div3A_29 = arith.divsi %add3A_27, %div3A_28 : i32
    %rem3A_30 = arith.constant 16 : i32
    %rem3A_31 = arith.remsi %add3A_27, %rem3A_30 : i32
    %mul3A_32 = arith.constant 63 : i32
    %mul3A_33 = arith.muli %rem3A_31, %mul3A_32 : i32
    %div3A_34 = arith.constant 15 : i32
    %div3A_35 = arith.divsi %mul3A_33, %div3A_34 : i32
    %lt3A_36 = arith.constant 48 : i32
    %lt3A_37 = arith.cmpi slt, %add3A_27, %lt3A_36 : i32
    %convert_element_type3A_38 = arith.extui %lt3A_37 : i1 to i32
    %cond3A_39 = arith.constant 0 : i32
    %cond3A_40 = arith.cmpi ne, %convert_element_type3A_38, %cond3A_39 : i32
    scf.if %cond3A_40 {
      %add3A_236 = arith.constant 32 : i32
      %add3A_237 = arith.addi %add3A, %add3A_236 : i32
      %div3A_238 = arith.constant 16 : i32
      %div3A_239 = arith.divsi %add3A_237, %div3A_238 : i32
      %rem3A_240 = arith.constant 16 : i32
      %rem3A_241 = arith.remsi %add3A_237, %rem3A_240 : i32
      %mul3A_242 = arith.constant 63 : i32
      %mul3A_243 = arith.muli %rem3A_241, %mul3A_242 : i32
      %div3A_244 = arith.constant 15 : i32
      %div3A_245 = arith.divsi %mul3A_243, %div3A_244 : i32
      %lt3A_246 = arith.constant 48 : i32
      %lt3A_247 = arith.cmpi slt, %add3A_237, %lt3A_246 : i32
      %dma_start3A = arith.constant 0 : i32
      %dma_start3A_248 = arith.constant 0 : i32
      %dma_start3A_249 = tpu.memref_slice %arg2[%div3A_239, %div3A_245, %dma_start3A, %dma_start3A_248] : memref<3x64x256x256xf32, #tpu.memory_space<hbm>> -> memref<1x1x128x256xf32, #tpu.memory_space<hbm>>
      %dma_start3A_250 = tpu.memref_squeeze %dma_start3A_249 : memref<1x1x128x256xf32, #tpu.memory_space<hbm>> -> memref<128x256xf32, #tpu.memory_space<hbm>>
      %dma_start3A_251 = arith.constant 0 : i32
      %dma_start3A_252 = arith.constant 0 : i32
      %dma_start3A_253 = tpu.memref_slice %arg2[%div3A_239, %div3A_245, %dma_start3A_251, %dma_start3A_252] : memref<3x64x256x256xf32, #tpu.memory_space<hbm>> -> memref<1x1x128x256xf32, #tpu.memory_space<hbm>>
      %dma_start3A_254 = tpu.memref_squeeze %dma_start3A_253 : memref<1x1x128x256xf32, #tpu.memory_space<hbm>> -> memref<128x256xf32, #tpu.memory_space<hbm>>
      tpu.enqueue_dma source(%dma_start3A_254 : memref<128x256xf32, #tpu.memory_space<hbm>>) target(%arg6 : memref<128x256xf32, #tpu.memory_space<vmem>>) target_semaphore(%arg9 : memref<!tpu.dma_semaphore, #tpu.memory_space<semaphore_mem>>)
    } else {
    }
    %add3A_41 = arith.constant 0 : i32
    %add3A_42 = arith.addi %add3A, %add3A_41 : i32
    %div3A_43 = arith.constant 16 : i32
    %div3A_44 = arith.divsi %add3A_42, %div3A_43 : i32
    %rem3A_45 = arith.constant 16 : i32
    %rem3A_46 = arith.remsi %add3A_42, %rem3A_45 : i32
    %mul3A_47 = arith.constant 63 : i32
    %mul3A_48 = arith.muli %rem3A_46, %mul3A_47 : i32
    %div3A_49 = arith.constant 15 : i32
    %div3A_50 = arith.divsi %mul3A_48, %div3A_49 : i32
    %lt3A_51 = arith.constant 48 : i32
    %lt3A_52 = arith.cmpi slt, %add3A_42, %lt3A_51 : i32
    %convert_element_type3A_53 = arith.extui %lt3A_52 : i1 to i32
    %cond3A_54 = arith.constant 0 : i32
    %cond3A_55 = arith.cmpi ne, %convert_element_type3A_53, %cond3A_54 : i32
    scf.if %cond3A_55 {
      %add3A_236 = arith.constant 0 : i32
      %add3A_237 = arith.addi %add3A, %add3A_236 : i32
      %div3A_238 = arith.constant 16 : i32
      %div3A_239 = arith.divsi %add3A_237, %div3A_238 : i32
      %rem3A_240 = arith.constant 16 : i32
      %rem3A_241 = arith.remsi %add3A_237, %rem3A_240 : i32
      %mul3A_242 = arith.constant 63 : i32
      %mul3A_243 = arith.muli %rem3A_241, %mul3A_242 : i32
      %div3A_244 = arith.constant 15 : i32
      %div3A_245 = arith.divsi %mul3A_243, %div3A_244 : i32
      %lt3A_246 = arith.constant 48 : i32
      %lt3A_247 = arith.cmpi slt, %add3A_237, %lt3A_246 : i32
      %dma_wait3A = arith.constant 0 : i32
      %dma_wait3A_248 = arith.constant 0 : i32
      %dma_wait3A_249 = tpu.memref_slice %arg2[%div3A_239, %div3A_245, %dma_wait3A, %dma_wait3A_248] : memref<3x64x256x256xf32, #tpu.memory_space<hbm>> -> memref<1x1x128x256xf32, #tpu.memory_space<hbm>>
      %dma_wait3A_250 = tpu.memref_squeeze %dma_wait3A_249 : memref<1x1x128x256xf32, #tpu.memory_space<hbm>> -> memref<128x256xf32, #tpu.memory_space<hbm>>
      %dma_wait3A_251 = arith.constant 0 : i32
      %dma_wait3A_252 = arith.constant 0 : i32
      %dma_wait3A_253 = tpu.memref_slice %arg2[%div3A_239, %div3A_245, %dma_wait3A_251, %dma_wait3A_252] : memref<3x64x256x256xf32, #tpu.memory_space<hbm>> -> memref<1x1x128x256xf32, #tpu.memory_space<hbm>>
      %dma_wait3A_254 = tpu.memref_squeeze %dma_wait3A_253 : memref<1x1x128x256xf32, #tpu.memory_space<hbm>> -> memref<128x256xf32, #tpu.memory_space<hbm>>
      tpu.wait_dma2 semaphore(%arg7 : memref<!tpu.dma_semaphore, #tpu.memory_space<semaphore_mem>>) src(%dma_wait3A_254 : memref<128x256xf32, #tpu.memory_space<hbm>>) dst(%arg4 : memref<128x256xf32, #tpu.memory_space<vmem>>)
    } else {
    }
    %add3A_56 = arith.constant 0 : i32
    %add3A_57 = arith.addi %add3A, %add3A_56 : i32
    %div3A_58 = arith.constant 16 : i32
    %div3A_59 = arith.divsi %add3A_57, %div3A_58 : i32
    %rem3A_60 = arith.constant 16 : i32
    %rem3A_61 = arith.remsi %add3A_57, %rem3A_60 : i32
    %mul3A_62 = arith.constant 63 : i32
    %mul3A_63 = arith.muli %rem3A_61, %mul3A_62 : i32
    %div3A_64 = arith.constant 15 : i32
    %div3A_65 = arith.divsi %mul3A_63, %div3A_64 : i32
    %lt3A_66 = arith.constant 48 : i32
    %lt3A_67 = arith.cmpi slt, %add3A_57, %lt3A_66 : i32
    %convert_element_type3A_68 = arith.extui %lt3A_67 : i1 to i32
    %cond3A_69 = arith.constant 0 : i32
    %cond3A_70 = arith.cmpi ne, %convert_element_type3A_68, %cond3A_69 : i32
    scf.if %cond3A_70 {
      %add3A_236 = arith.constant 0 : i32
      %add3A_237 = arith.addi %add3A, %add3A_236 : i32
      %div3A_238 = arith.constant 16 : i32
      %div3A_239 = arith.divsi %add3A_237, %div3A_238 : i32
      %rem3A_240 = arith.constant 16 : i32
      %rem3A_241 = arith.remsi %add3A_237, %rem3A_240 : i32
      %mul3A_242 = arith.constant 63 : i32
      %mul3A_243 = arith.muli %rem3A_241, %mul3A_242 : i32
      %div3A_244 = arith.constant 15 : i32
      %div3A_245 = arith.divsi %mul3A_243, %div3A_244 : i32
      %lt3A_246 = arith.constant 48 : i32
      %lt3A_247 = arith.cmpi slt, %add3A_237, %lt3A_246 : i32
      %dma_start3A = arith.constant 0 : i32
      %dma_start3A_248 = arith.constant 0 : i32
      %dma_start3A_249 = tpu.memref_slice %arg3[%div3A_239, %rem3A_241, %dma_start3A, %dma_start3A_248] : memref<3x16x256x256xf32, #tpu.memory_space<hbm>> -> memref<1x1x128x256xf32, #tpu.memory_space<hbm>>
      %dma_start3A_250 = tpu.memref_squeeze %dma_start3A_249 : memref<1x1x128x256xf32, #tpu.memory_space<hbm>> -> memref<128x256xf32, #tpu.memory_space<hbm>>
      %dma_start3A_251 = arith.constant 0 : i32
      %dma_start3A_252 = arith.constant 0 : i32
      %dma_start3A_253 = tpu.memref_slice %arg3[%div3A_239, %rem3A_241, %dma_start3A_251, %dma_start3A_252] : memref<3x16x256x256xf32, #tpu.memory_space<hbm>> -> memref<1x1x128x256xf32, #tpu.memory_space<hbm>>
      %dma_start3A_254 = tpu.memref_squeeze %dma_start3A_253 : memref<1x1x128x256xf32, #tpu.memory_space<hbm>> -> memref<128x256xf32, #tpu.memory_space<hbm>>
      tpu.enqueue_dma source(%arg4 : memref<128x256xf32, #tpu.memory_space<vmem>>) target(%dma_start3A_254 : memref<128x256xf32, #tpu.memory_space<hbm>>) target_semaphore(%arg10 : memref<!tpu.dma_semaphore, #tpu.memory_space<semaphore_mem>>)
    } else {
    }
    %add3A_71 = arith.constant 0 : i32
    %add3A_72 = arith.addi %add3A, %add3A_71 : i32
    %div3A_73 = arith.constant 16 : i32
    %div3A_74 = arith.divsi %add3A_72, %div3A_73 : i32
    %rem3A_75 = arith.constant 16 : i32
    %rem3A_76 = arith.remsi %add3A_72, %rem3A_75 : i32
    %mul3A_77 = arith.constant 63 : i32
    %mul3A_78 = arith.muli %rem3A_76, %mul3A_77 : i32
    %div3A_79 = arith.constant 15 : i32
    %div3A_80 = arith.divsi %mul3A_78, %div3A_79 : i32
    %lt3A_81 = arith.constant 48 : i32
    %lt3A_82 = arith.cmpi slt, %add3A_72, %lt3A_81 : i32
    %convert_element_type3A_83 = arith.extui %lt3A_82 : i1 to i32
    %cond3A_84 = arith.constant 0 : i32
    %cond3A_85 = arith.cmpi ne, %convert_element_type3A_83, %cond3A_84 : i32
    scf.if %cond3A_85 {
      %add3A_236 = arith.constant 0 : i32
      %add3A_237 = arith.addi %add3A, %add3A_236 : i32
      %div3A_238 = arith.constant 16 : i32
      %div3A_239 = arith.divsi %add3A_237, %div3A_238 : i32
      %rem3A_240 = arith.constant 16 : i32
      %rem3A_241 = arith.remsi %add3A_237, %rem3A_240 : i32
      %mul3A_242 = arith.constant 63 : i32
      %mul3A_243 = arith.muli %rem3A_241, %mul3A_242 : i32
      %div3A_244 = arith.constant 15 : i32
      %div3A_245 = arith.divsi %mul3A_243, %div3A_244 : i32
      %lt3A_246 = arith.constant 48 : i32
      %lt3A_247 = arith.cmpi slt, %add3A_237, %lt3A_246 : i32
      %dma_wait3A = arith.constant 128 : i32
      %dma_wait3A_248 = arith.constant 0 : i32
      %dma_wait3A_249 = tpu.memref_slice %arg2[%div3A_239, %div3A_245, %dma_wait3A, %dma_wait3A_248] : memref<3x64x256x256xf32, #tpu.memory_space<hbm>> -> memref<1x1x128x256xf32, #tpu.memory_space<hbm>>
      %dma_wait3A_250 = tpu.memref_squeeze %dma_wait3A_249 : memref<1x1x128x256xf32, #tpu.memory_space<hbm>> -> memref<128x256xf32, #tpu.memory_space<hbm>>
      %dma_wait3A_251 = arith.constant 128 : i32
      %dma_wait3A_252 = arith.constant 0 : i32
      %dma_wait3A_253 = tpu.memref_slice %arg2[%div3A_239, %div3A_245, %dma_wait3A_251, %dma_wait3A_252] : memref<3x64x256x256xf32, #tpu.memory_space<hbm>> -> memref<1x1x128x256xf32, #tpu.memory_space<hbm>>
      %dma_wait3A_254 = tpu.memref_squeeze %dma_wait3A_253 : memref<1x1x128x256xf32, #tpu.memory_space<hbm>> -> memref<128x256xf32, #tpu.memory_space<hbm>>
      tpu.wait_dma2 semaphore(%arg8 : memref<!tpu.dma_semaphore, #tpu.memory_space<semaphore_mem>>) src(%dma_wait3A_254 : memref<128x256xf32, #tpu.memory_space<hbm>>) dst(%arg5 : memref<128x256xf32, #tpu.memory_space<vmem>>)
    } else {
    }
    %add3A_86 = arith.constant 0 : i32
    %add3A_87 = arith.addi %add3A, %add3A_86 : i32
    %div3A_88 = arith.constant 16 : i32
    %div3A_89 = arith.divsi %add3A_87, %div3A_88 : i32
    %rem3A_90 = arith.constant 16 : i32
    %rem3A_91 = arith.remsi %add3A_87, %rem3A_90 : i32
    %mul3A_92 = arith.constant 63 : i32
    %mul3A_93 = arith.muli %rem3A_91, %mul3A_92 : i32
    %div3A_94 = arith.constant 15 : i32
    %div3A_95 = arith.divsi %mul3A_93, %div3A_94 : i32
    %lt3A_96 = arith.constant 48 : i32
    %lt3A_97 = arith.cmpi slt, %add3A_87, %lt3A_96 : i32
    %convert_element_type3A_98 = arith.extui %lt3A_97 : i1 to i32
    %cond3A_99 = arith.constant 0 : i32
    %cond3A_100 = arith.cmpi ne, %convert_element_type3A_98, %cond3A_99 : i32
    scf.if %cond3A_100 {
      %add3A_236 = arith.constant 0 : i32
      %add3A_237 = arith.addi %add3A, %add3A_236 : i32
      %div3A_238 = arith.constant 16 : i32
      %div3A_239 = arith.divsi %add3A_237, %div3A_238 : i32
      %rem3A_240 = arith.constant 16 : i32
      %rem3A_241 = arith.remsi %add3A_237, %rem3A_240 : i32
      %mul3A_242 = arith.constant 63 : i32
      %mul3A_243 = arith.muli %rem3A_241, %mul3A_242 : i32
      %div3A_244 = arith.constant 15 : i32
      %div3A_245 = arith.divsi %mul3A_243, %div3A_244 : i32
      %lt3A_246 = arith.constant 48 : i32
      %lt3A_247 = arith.cmpi slt, %add3A_237, %lt3A_246 : i32
      %dma_start3A = arith.constant 128 : i32
      %dma_start3A_248 = arith.constant 0 : i32
      %dma_start3A_249 = tpu.memref_slice %arg3[%div3A_239, %rem3A_241, %dma_start3A, %dma_start3A_248] : memref<3x16x256x256xf32, #tpu.memory_space<hbm>> -> memref<1x1x128x256xf32, #tpu.memory_space<hbm>>
      %dma_start3A_250 = tpu.memref_squeeze %dma_start3A_249 : memref<1x1x128x256xf32, #tpu.memory_space<hbm>> -> memref<128x256xf32, #tpu.memory_space<hbm>>
      %dma_start3A_251 = arith.constant 128 : i32
      %dma_start3A_252 = arith.constant 0 : i32
      %dma_start3A_253 = tpu.memref_slice %arg3[%div3A_239, %rem3A_241, %dma_start3A_251, %dma_start3A_252] : memref<3x16x256x256xf32, #tpu.memory_space<hbm>> -> memref<1x1x128x256xf32, #tpu.memory_space<hbm>>
      %dma_start3A_254 = tpu.memref_squeeze %dma_start3A_253 : memref<1x1x128x256xf32, #tpu.memory_space<hbm>> -> memref<128x256xf32, #tpu.memory_space<hbm>>
      tpu.enqueue_dma source(%arg5 : memref<128x256xf32, #tpu.memory_space<vmem>>) target(%dma_start3A_254 : memref<128x256xf32, #tpu.memory_space<hbm>>) target_semaphore(%arg11 : memref<!tpu.dma_semaphore, #tpu.memory_space<semaphore_mem>>)
    } else {
    }
    %add3A_101 = arith.constant 32 : i32
    %add3A_102 = arith.addi %add3A, %add3A_101 : i32
    %div3A_103 = arith.constant 16 : i32
    %div3A_104 = arith.divsi %add3A_102, %div3A_103 : i32
    %rem3A_105 = arith.constant 16 : i32
    %rem3A_106 = arith.remsi %add3A_102, %rem3A_105 : i32
    %mul3A_107 = arith.constant 63 : i32
    %mul3A_108 = arith.muli %rem3A_106, %mul3A_107 : i32
    %div3A_109 = arith.constant 15 : i32
    %div3A_110 = arith.divsi %mul3A_108, %div3A_109 : i32
    %lt3A_111 = arith.constant 48 : i32
    %lt3A_112 = arith.cmpi slt, %add3A_102, %lt3A_111 : i32
    %convert_element_type3A_113 = arith.extui %lt3A_112 : i1 to i32
    %cond3A_114 = arith.constant 0 : i32
    %cond3A_115 = arith.cmpi ne, %convert_element_type3A_113, %cond3A_114 : i32
    scf.if %cond3A_115 {
      %add3A_236 = arith.constant 32 : i32
      %add3A_237 = arith.addi %add3A, %add3A_236 : i32
      %div3A_238 = arith.constant 16 : i32
      %div3A_239 = arith.divsi %add3A_237, %div3A_238 : i32
      %rem3A_240 = arith.constant 16 : i32
      %rem3A_241 = arith.remsi %add3A_237, %rem3A_240 : i32
      %mul3A_242 = arith.constant 63 : i32
      %mul3A_243 = arith.muli %rem3A_241, %mul3A_242 : i32
      %div3A_244 = arith.constant 15 : i32
      %div3A_245 = arith.divsi %mul3A_243, %div3A_244 : i32
      %lt3A_246 = arith.constant 48 : i32
      %lt3A_247 = arith.cmpi slt, %add3A_237, %lt3A_246 : i32
      %dma_wait3A = arith.constant 0 : i32
      %dma_wait3A_248 = arith.constant 0 : i32
      %dma_wait3A_249 = tpu.memref_slice %arg2[%div3A_239, %div3A_245, %dma_wait3A, %dma_wait3A_248] : memref<3x64x256x256xf32, #tpu.memory_space<hbm>> -> memref<1x1x128x256xf32, #tpu.memory_space<hbm>>
      %dma_wait3A_250 = tpu.memref_squeeze %dma_wait3A_249 : memref<1x1x128x256xf32, #tpu.memory_space<hbm>> -> memref<128x256xf32, #tpu.memory_space<hbm>>
      %dma_wait3A_251 = arith.constant 0 : i32
      %dma_wait3A_252 = arith.constant 0 : i32
      %dma_wait3A_253 = tpu.memref_slice %arg2[%div3A_239, %div3A_245, %dma_wait3A_251, %dma_wait3A_252] : memref<3x64x256x256xf32, #tpu.memory_space<hbm>> -> memref<1x1x128x256xf32, #tpu.memory_space<hbm>>
      %dma_wait3A_254 = tpu.memref_squeeze %dma_wait3A_253 : memref<1x1x128x256xf32, #tpu.memory_space<hbm>> -> memref<128x256xf32, #tpu.memory_space<hbm>>
      tpu.wait_dma2 semaphore(%arg9 : memref<!tpu.dma_semaphore, #tpu.memory_space<semaphore_mem>>) src(%dma_wait3A_254 : memref<128x256xf32, #tpu.memory_space<hbm>>) dst(%arg6 : memref<128x256xf32, #tpu.memory_space<vmem>>)
    } else {
    }
    %add3A_116 = arith.constant 32 : i32
    %add3A_117 = arith.addi %add3A, %add3A_116 : i32
    %div3A_118 = arith.constant 16 : i32
    %div3A_119 = arith.divsi %add3A_117, %div3A_118 : i32
    %rem3A_120 = arith.constant 16 : i32
    %rem3A_121 = arith.remsi %add3A_117, %rem3A_120 : i32
    %mul3A_122 = arith.constant 63 : i32
    %mul3A_123 = arith.muli %rem3A_121, %mul3A_122 : i32
    %div3A_124 = arith.constant 15 : i32
    %div3A_125 = arith.divsi %mul3A_123, %div3A_124 : i32
    %lt3A_126 = arith.constant 48 : i32
    %lt3A_127 = arith.cmpi slt, %add3A_117, %lt3A_126 : i32
    %convert_element_type3A_128 = arith.extui %lt3A_127 : i1 to i32
    %cond3A_129 = arith.constant 0 : i32
    %cond3A_130 = arith.cmpi ne, %convert_element_type3A_128, %cond3A_129 : i32
    scf.if %cond3A_130 {
      %add3A_236 = arith.constant 32 : i32
      %add3A_237 = arith.addi %add3A, %add3A_236 : i32
      %div3A_238 = arith.constant 16 : i32
      %div3A_239 = arith.divsi %add3A_237, %div3A_238 : i32
      %rem3A_240 = arith.constant 16 : i32
      %rem3A_241 = arith.remsi %add3A_237, %rem3A_240 : i32
      %mul3A_242 = arith.constant 63 : i32
      %mul3A_243 = arith.muli %rem3A_241, %mul3A_242 : i32
      %div3A_244 = arith.constant 15 : i32
      %div3A_245 = arith.divsi %mul3A_243, %div3A_244 : i32
      %lt3A_246 = arith.constant 48 : i32
      %lt3A_247 = arith.cmpi slt, %add3A_237, %lt3A_246 : i32
      %dma_start3A = arith.constant 0 : i32
      %dma_start3A_248 = arith.constant 0 : i32
      %dma_start3A_249 = tpu.memref_slice %arg3[%div3A_239, %rem3A_241, %dma_start3A, %dma_start3A_248] : memref<3x16x256x256xf32, #tpu.memory_space<hbm>> -> memref<1x1x128x256xf32, #tpu.memory_space<hbm>>
      %dma_start3A_250 = tpu.memref_squeeze %dma_start3A_249 : memref<1x1x128x256xf32, #tpu.memory_space<hbm>> -> memref<128x256xf32, #tpu.memory_space<hbm>>
      %dma_start3A_251 = arith.constant 0 : i32
      %dma_start3A_252 = arith.constant 0 : i32
      %dma_start3A_253 = tpu.memref_slice %arg3[%div3A_239, %rem3A_241, %dma_start3A_251, %dma_start3A_252] : memref<3x16x256x256xf32, #tpu.memory_space<hbm>> -> memref<1x1x128x256xf32, #tpu.memory_space<hbm>>
      %dma_start3A_254 = tpu.memref_squeeze %dma_start3A_253 : memref<1x1x128x256xf32, #tpu.memory_space<hbm>> -> memref<128x256xf32, #tpu.memory_space<hbm>>
      tpu.enqueue_dma source(%arg6 : memref<128x256xf32, #tpu.memory_space<vmem>>) target(%dma_start3A_254 : memref<128x256xf32, #tpu.memory_space<hbm>>) target_semaphore(%arg12 : memref<!tpu.dma_semaphore, #tpu.memory_space<semaphore_mem>>)
    } else {
    }
    %add3A_131 = arith.constant 0 : i32
    %add3A_132 = arith.addi %add3A, %add3A_131 : i32
    %div3A_133 = arith.constant 16 : i32
    %div3A_134 = arith.divsi %add3A_132, %div3A_133 : i32
    %rem3A_135 = arith.constant 16 : i32
    %rem3A_136 = arith.remsi %add3A_132, %rem3A_135 : i32
    %mul3A_137 = arith.constant 63 : i32
    %mul3A_138 = arith.muli %rem3A_136, %mul3A_137 : i32
    %div3A_139 = arith.constant 15 : i32
    %div3A_140 = arith.divsi %mul3A_138, %div3A_139 : i32
    %lt3A_141 = arith.constant 48 : i32
    %lt3A_142 = arith.cmpi slt, %add3A_132, %lt3A_141 : i32
    %convert_element_type3A_143 = arith.extui %lt3A_142 : i1 to i32
    %cond3A_144 = arith.constant 0 : i32
    %cond3A_145 = arith.cmpi ne, %convert_element_type3A_143, %cond3A_144 : i32
    scf.if %cond3A_145 {
      %add3A_236 = arith.constant 0 : i32
      %add3A_237 = arith.addi %add3A, %add3A_236 : i32
      %div3A_238 = arith.constant 16 : i32
      %div3A_239 = arith.divsi %add3A_237, %div3A_238 : i32
      %rem3A_240 = arith.constant 16 : i32
      %rem3A_241 = arith.remsi %add3A_237, %rem3A_240 : i32
      %mul3A_242 = arith.constant 63 : i32
      %mul3A_243 = arith.muli %rem3A_241, %mul3A_242 : i32
      %div3A_244 = arith.constant 15 : i32
      %div3A_245 = arith.divsi %mul3A_243, %div3A_244 : i32
      %lt3A_246 = arith.constant 48 : i32
      %lt3A_247 = arith.cmpi slt, %add3A_237, %lt3A_246 : i32
      %dma_wait3A = arith.constant 0 : i32
      %dma_wait3A_248 = arith.constant 0 : i32
      %dma_wait3A_249 = tpu.memref_slice %arg3[%div3A_239, %rem3A_241, %dma_wait3A, %dma_wait3A_248] : memref<3x16x256x256xf32, #tpu.memory_space<hbm>> -> memref<1x1x128x256xf32, #tpu.memory_space<hbm>>
      %dma_wait3A_250 = tpu.memref_squeeze %dma_wait3A_249 : memref<1x1x128x256xf32, #tpu.memory_space<hbm>> -> memref<128x256xf32, #tpu.memory_space<hbm>>
      %dma_wait3A_251 = arith.constant 0 : i32
      %dma_wait3A_252 = arith.constant 0 : i32
      %dma_wait3A_253 = tpu.memref_slice %arg3[%div3A_239, %rem3A_241, %dma_wait3A_251, %dma_wait3A_252] : memref<3x16x256x256xf32, #tpu.memory_space<hbm>> -> memref<1x1x128x256xf32, #tpu.memory_space<hbm>>
      %dma_wait3A_254 = tpu.memref_squeeze %dma_wait3A_253 : memref<1x1x128x256xf32, #tpu.memory_space<hbm>> -> memref<128x256xf32, #tpu.memory_space<hbm>>
      tpu.wait_dma2 semaphore(%arg10 : memref<!tpu.dma_semaphore, #tpu.memory_space<semaphore_mem>>) src(%arg4 : memref<128x256xf32, #tpu.memory_space<vmem>>) dst(%dma_wait3A_254 : memref<128x256xf32, #tpu.memory_space<hbm>>)
    } else {
    }
    %add3A_146 = arith.constant 32 : i32
    %add3A_147 = arith.addi %add3A, %add3A_146 : i32
    %div3A_148 = arith.constant 16 : i32
    %div3A_149 = arith.divsi %add3A_147, %div3A_148 : i32
    %rem3A_150 = arith.constant 16 : i32
    %rem3A_151 = arith.remsi %add3A_147, %rem3A_150 : i32
    %mul3A_152 = arith.constant 63 : i32
    %mul3A_153 = arith.muli %rem3A_151, %mul3A_152 : i32
    %div3A_154 = arith.constant 15 : i32
    %div3A_155 = arith.divsi %mul3A_153, %div3A_154 : i32
    %lt3A_156 = arith.constant 48 : i32
    %lt3A_157 = arith.cmpi slt, %add3A_147, %lt3A_156 : i32
    %convert_element_type3A_158 = arith.extui %lt3A_157 : i1 to i32
    %cond3A_159 = arith.constant 0 : i32
    %cond3A_160 = arith.cmpi ne, %convert_element_type3A_158, %cond3A_159 : i32
    scf.if %cond3A_160 {
      %add3A_236 = arith.constant 32 : i32
      %add3A_237 = arith.addi %add3A, %add3A_236 : i32
      %div3A_238 = arith.constant 16 : i32
      %div3A_239 = arith.divsi %add3A_237, %div3A_238 : i32
      %rem3A_240 = arith.constant 16 : i32
      %rem3A_241 = arith.remsi %add3A_237, %rem3A_240 : i32
      %mul3A_242 = arith.constant 63 : i32
      %mul3A_243 = arith.muli %rem3A_241, %mul3A_242 : i32
      %div3A_244 = arith.constant 15 : i32
      %div3A_245 = arith.divsi %mul3A_243, %div3A_244 : i32
      %lt3A_246 = arith.constant 48 : i32
      %lt3A_247 = arith.cmpi slt, %add3A_237, %lt3A_246 : i32
      %dma_start3A = arith.constant 128 : i32
      %dma_start3A_248 = arith.constant 0 : i32
      %dma_start3A_249 = tpu.memref_slice %arg2[%div3A_239, %div3A_245, %dma_start3A, %dma_start3A_248] : memref<3x64x256x256xf32, #tpu.memory_space<hbm>> -> memref<1x1x128x256xf32, #tpu.memory_space<hbm>>
      %dma_start3A_250 = tpu.memref_squeeze %dma_start3A_249 : memref<1x1x128x256xf32, #tpu.memory_space<hbm>> -> memref<128x256xf32, #tpu.memory_space<hbm>>
      %dma_start3A_251 = arith.constant 128 : i32
      %dma_start3A_252 = arith.constant 0 : i32
      %dma_start3A_253 = tpu.memref_slice %arg2[%div3A_239, %div3A_245, %dma_start3A_251, %dma_start3A_252] : memref<3x64x256x256xf32, #tpu.memory_space<hbm>> -> memref<1x1x128x256xf32, #tpu.memory_space<hbm>>
      %dma_start3A_254 = tpu.memref_squeeze %dma_start3A_253 : memref<1x1x128x256xf32, #tpu.memory_space<hbm>> -> memref<128x256xf32, #tpu.memory_space<hbm>>
      tpu.enqueue_dma source(%dma_start3A_254 : memref<128x256xf32, #tpu.memory_space<hbm>>) target(%arg4 : memref<128x256xf32, #tpu.memory_space<vmem>>) target_semaphore(%arg7 : memref<!tpu.dma_semaphore, #tpu.memory_space<semaphore_mem>>)
    } else {
    }
    %add3A_161 = arith.constant 32 : i32
    %add3A_162 = arith.addi %add3A, %add3A_161 : i32
    %div3A_163 = arith.constant 16 : i32
    %div3A_164 = arith.divsi %add3A_162, %div3A_163 : i32
    %rem3A_165 = arith.constant 16 : i32
    %rem3A_166 = arith.remsi %add3A_162, %rem3A_165 : i32
    %mul3A_167 = arith.constant 63 : i32
    %mul3A_168 = arith.muli %rem3A_166, %mul3A_167 : i32
    %div3A_169 = arith.constant 15 : i32
    %div3A_170 = arith.divsi %mul3A_168, %div3A_169 : i32
    %lt3A_171 = arith.constant 48 : i32
    %lt3A_172 = arith.cmpi slt, %add3A_162, %lt3A_171 : i32
    %convert_element_type3A_173 = arith.extui %lt3A_172 : i1 to i32
    %cond3A_174 = arith.constant 0 : i32
    %cond3A_175 = arith.cmpi ne, %convert_element_type3A_173, %cond3A_174 : i32
    scf.if %cond3A_175 {
      %add3A_236 = arith.constant 32 : i32
      %add3A_237 = arith.addi %add3A, %add3A_236 : i32
      %div3A_238 = arith.constant 16 : i32
      %div3A_239 = arith.divsi %add3A_237, %div3A_238 : i32
      %rem3A_240 = arith.constant 16 : i32
      %rem3A_241 = arith.remsi %add3A_237, %rem3A_240 : i32
      %mul3A_242 = arith.constant 63 : i32
      %mul3A_243 = arith.muli %rem3A_241, %mul3A_242 : i32
      %div3A_244 = arith.constant 15 : i32
      %div3A_245 = arith.divsi %mul3A_243, %div3A_244 : i32
      %lt3A_246 = arith.constant 48 : i32
      %lt3A_247 = arith.cmpi slt, %add3A_237, %lt3A_246 : i32
      %dma_wait3A = arith.constant 128 : i32
      %dma_wait3A_248 = arith.constant 0 : i32
      %dma_wait3A_249 = tpu.memref_slice %arg2[%div3A_239, %div3A_245, %dma_wait3A, %dma_wait3A_248] : memref<3x64x256x256xf32, #tpu.memory_space<hbm>> -> memref<1x1x128x256xf32, #tpu.memory_space<hbm>>
      %dma_wait3A_250 = tpu.memref_squeeze %dma_wait3A_249 : memref<1x1x128x256xf32, #tpu.memory_space<hbm>> -> memref<128x256xf32, #tpu.memory_space<hbm>>
      %dma_wait3A_251 = arith.constant 128 : i32
      %dma_wait3A_252 = arith.constant 0 : i32
      %dma_wait3A_253 = tpu.memref_slice %arg2[%div3A_239, %div3A_245, %dma_wait3A_251, %dma_wait3A_252] : memref<3x64x256x256xf32, #tpu.memory_space<hbm>> -> memref<1x1x128x256xf32, #tpu.memory_space<hbm>>
      %dma_wait3A_254 = tpu.memref_squeeze %dma_wait3A_253 : memref<1x1x128x256xf32, #tpu.memory_space<hbm>> -> memref<128x256xf32, #tpu.memory_space<hbm>>
      tpu.wait_dma2 semaphore(%arg7 : memref<!tpu.dma_semaphore, #tpu.memory_space<semaphore_mem>>) src(%dma_wait3A_254 : memref<128x256xf32, #tpu.memory_space<hbm>>) dst(%arg4 : memref<128x256xf32, #tpu.memory_space<vmem>>)
    } else {
    }
    %add3A_176 = arith.constant 32 : i32
    %add3A_177 = arith.addi %add3A, %add3A_176 : i32
    %div3A_178 = arith.constant 16 : i32
    %div3A_179 = arith.divsi %add3A_177, %div3A_178 : i32
    %rem3A_180 = arith.constant 16 : i32
    %rem3A_181 = arith.remsi %add3A_177, %rem3A_180 : i32
    %mul3A_182 = arith.constant 63 : i32
    %mul3A_183 = arith.muli %rem3A_181, %mul3A_182 : i32
    %div3A_184 = arith.constant 15 : i32
    %div3A_185 = arith.divsi %mul3A_183, %div3A_184 : i32
    %lt3A_186 = arith.constant 48 : i32
    %lt3A_187 = arith.cmpi slt, %add3A_177, %lt3A_186 : i32
    %convert_element_type3A_188 = arith.extui %lt3A_187 : i1 to i32
    %cond3A_189 = arith.constant 0 : i32
    %cond3A_190 = arith.cmpi ne, %convert_element_type3A_188, %cond3A_189 : i32
    scf.if %cond3A_190 {
      %add3A_236 = arith.constant 32 : i32
      %add3A_237 = arith.addi %add3A, %add3A_236 : i32
      %div3A_238 = arith.constant 16 : i32
      %div3A_239 = arith.divsi %add3A_237, %div3A_238 : i32
      %rem3A_240 = arith.constant 16 : i32
      %rem3A_241 = arith.remsi %add3A_237, %rem3A_240 : i32
      %mul3A_242 = arith.constant 63 : i32
      %mul3A_243 = arith.muli %rem3A_241, %mul3A_242 : i32
      %div3A_244 = arith.constant 15 : i32
      %div3A_245 = arith.divsi %mul3A_243, %div3A_244 : i32
      %lt3A_246 = arith.constant 48 : i32
      %lt3A_247 = arith.cmpi slt, %add3A_237, %lt3A_246 : i32
      %dma_start3A = arith.constant 128 : i32
      %dma_start3A_248 = arith.constant 0 : i32
      %dma_start3A_249 = tpu.memref_slice %arg3[%div3A_239, %rem3A_241, %dma_start3A, %dma_start3A_248] : memref<3x16x256x256xf32, #tpu.memory_space<hbm>> -> memref<1x1x128x256xf32, #tpu.memory_space<hbm>>
      %dma_start3A_250 = tpu.memref_squeeze %dma_start3A_249 : memref<1x1x128x256xf32, #tpu.memory_space<hbm>> -> memref<128x256xf32, #tpu.memory_space<hbm>>
      %dma_start3A_251 = arith.constant 128 : i32
      %dma_start3A_252 = arith.constant 0 : i32
      %dma_start3A_253 = tpu.memref_slice %arg3[%div3A_239, %rem3A_241, %dma_start3A_251, %dma_start3A_252] : memref<3x16x256x256xf32, #tpu.memory_space<hbm>> -> memref<1x1x128x256xf32, #tpu.memory_space<hbm>>
      %dma_start3A_254 = tpu.memref_squeeze %dma_start3A_253 : memref<1x1x128x256xf32, #tpu.memory_space<hbm>> -> memref<128x256xf32, #tpu.memory_space<hbm>>
      tpu.enqueue_dma source(%arg4 : memref<128x256xf32, #tpu.memory_space<vmem>>) target(%dma_start3A_254 : memref<128x256xf32, #tpu.memory_space<hbm>>) target_semaphore(%arg10 : memref<!tpu.dma_semaphore, #tpu.memory_space<semaphore_mem>>)
    } else {
    }
    %add3A_191 = arith.constant 0 : i32
    %add3A_192 = arith.addi %add3A, %add3A_191 : i32
    %div3A_193 = arith.constant 16 : i32
    %div3A_194 = arith.divsi %add3A_192, %div3A_193 : i32
    %rem3A_195 = arith.constant 16 : i32
    %rem3A_196 = arith.remsi %add3A_192, %rem3A_195 : i32
    %mul3A_197 = arith.constant 63 : i32
    %mul3A_198 = arith.muli %rem3A_196, %mul3A_197 : i32
    %div3A_199 = arith.constant 15 : i32
    %div3A_200 = arith.divsi %mul3A_198, %div3A_199 : i32
    %lt3A_201 = arith.constant 48 : i32
    %lt3A_202 = arith.cmpi slt, %add3A_192, %lt3A_201 : i32
    %convert_element_type3A_203 = arith.extui %lt3A_202 : i1 to i32
    %cond3A_204 = arith.constant 0 : i32
    %cond3A_205 = arith.cmpi ne, %convert_element_type3A_203, %cond3A_204 : i32
    scf.if %cond3A_205 {
      %add3A_236 = arith.constant 0 : i32
      %add3A_237 = arith.addi %add3A, %add3A_236 : i32
      %div3A_238 = arith.constant 16 : i32
      %div3A_239 = arith.divsi %add3A_237, %div3A_238 : i32
      %rem3A_240 = arith.constant 16 : i32
      %rem3A_241 = arith.remsi %add3A_237, %rem3A_240 : i32
      %mul3A_242 = arith.constant 63 : i32
      %mul3A_243 = arith.muli %rem3A_241, %mul3A_242 : i32
      %div3A_244 = arith.constant 15 : i32
      %div3A_245 = arith.divsi %mul3A_243, %div3A_244 : i32
      %lt3A_246 = arith.constant 48 : i32
      %lt3A_247 = arith.cmpi slt, %add3A_237, %lt3A_246 : i32
      %dma_wait3A = arith.constant 128 : i32
      %dma_wait3A_248 = arith.constant 0 : i32
      %dma_wait3A_249 = tpu.memref_slice %arg3[%div3A_239, %rem3A_241, %dma_wait3A, %dma_wait3A_248] : memref<3x16x256x256xf32, #tpu.memory_space<hbm>> -> memref<1x1x128x256xf32, #tpu.memory_space<hbm>>
      %dma_wait3A_250 = tpu.memref_squeeze %dma_wait3A_249 : memref<1x1x128x256xf32, #tpu.memory_space<hbm>> -> memref<128x256xf32, #tpu.memory_space<hbm>>
      %dma_wait3A_251 = arith.constant 128 : i32
      %dma_wait3A_252 = arith.constant 0 : i32
      %dma_wait3A_253 = tpu.memref_slice %arg3[%div3A_239, %rem3A_241, %dma_wait3A_251, %dma_wait3A_252] : memref<3x16x256x256xf32, #tpu.memory_space<hbm>> -> memref<1x1x128x256xf32, #tpu.memory_space<hbm>>
      %dma_wait3A_254 = tpu.memref_squeeze %dma_wait3A_253 : memref<1x1x128x256xf32, #tpu.memory_space<hbm>> -> memref<128x256xf32, #tpu.memory_space<hbm>>
      tpu.wait_dma2 semaphore(%arg11 : memref<!tpu.dma_semaphore, #tpu.memory_space<semaphore_mem>>) src(%arg5 : memref<128x256xf32, #tpu.memory_space<vmem>>) dst(%dma_wait3A_254 : memref<128x256xf32, #tpu.memory_space<hbm>>)
    } else {
    }
    %add3A_206 = arith.constant 32 : i32
    %add3A_207 = arith.addi %add3A, %add3A_206 : i32
    %div3A_208 = arith.constant 16 : i32
    %div3A_209 = arith.divsi %add3A_207, %div3A_208 : i32
    %rem3A_210 = arith.constant 16 : i32
    %rem3A_211 = arith.remsi %add3A_207, %rem3A_210 : i32
    %mul3A_212 = arith.constant 63 : i32
    %mul3A_213 = arith.muli %rem3A_211, %mul3A_212 : i32
    %div3A_214 = arith.constant 15 : i32
    %div3A_215 = arith.divsi %mul3A_213, %div3A_214 : i32
    %lt3A_216 = arith.constant 48 : i32
    %lt3A_217 = arith.cmpi slt, %add3A_207, %lt3A_216 : i32
    %convert_element_type3A_218 = arith.extui %lt3A_217 : i1 to i32
    %cond3A_219 = arith.constant 0 : i32
    %cond3A_220 = arith.cmpi ne, %convert_element_type3A_218, %cond3A_219 : i32
    scf.if %cond3A_220 {
      %add3A_236 = arith.constant 32 : i32
      %add3A_237 = arith.addi %add3A, %add3A_236 : i32
      %div3A_238 = arith.constant 16 : i32
      %div3A_239 = arith.divsi %add3A_237, %div3A_238 : i32
      %rem3A_240 = arith.constant 16 : i32
      %rem3A_241 = arith.remsi %add3A_237, %rem3A_240 : i32
      %mul3A_242 = arith.constant 63 : i32
      %mul3A_243 = arith.muli %rem3A_241, %mul3A_242 : i32
      %div3A_244 = arith.constant 15 : i32
      %div3A_245 = arith.divsi %mul3A_243, %div3A_244 : i32
      %lt3A_246 = arith.constant 48 : i32
      %lt3A_247 = arith.cmpi slt, %add3A_237, %lt3A_246 : i32
      %dma_wait3A = arith.constant 0 : i32
      %dma_wait3A_248 = arith.constant 0 : i32
      %dma_wait3A_249 = tpu.memref_slice %arg3[%div3A_239, %rem3A_241, %dma_wait3A, %dma_wait3A_248] : memref<3x16x256x256xf32, #tpu.memory_space<hbm>> -> memref<1x1x128x256xf32, #tpu.memory_space<hbm>>
      %dma_wait3A_250 = tpu.memref_squeeze %dma_wait3A_249 : memref<1x1x128x256xf32, #tpu.memory_space<hbm>> -> memref<128x256xf32, #tpu.memory_space<hbm>>
      %dma_wait3A_251 = arith.constant 0 : i32
      %dma_wait3A_252 = arith.constant 0 : i32
      %dma_wait3A_253 = tpu.memref_slice %arg3[%div3A_239, %rem3A_241, %dma_wait3A_251, %dma_wait3A_252] : memref<3x16x256x256xf32, #tpu.memory_space<hbm>> -> memref<1x1x128x256xf32, #tpu.memory_space<hbm>>
      %dma_wait3A_254 = tpu.memref_squeeze %dma_wait3A_253 : memref<1x1x128x256xf32, #tpu.memory_space<hbm>> -> memref<128x256xf32, #tpu.memory_space<hbm>>
      tpu.wait_dma2 semaphore(%arg12 : memref<!tpu.dma_semaphore, #tpu.memory_space<semaphore_mem>>) src(%arg6 : memref<128x256xf32, #tpu.memory_space<vmem>>) dst(%dma_wait3A_254 : memref<128x256xf32, #tpu.memory_space<hbm>>)
    } else {
    }
    %add3A_221 = arith.constant 32 : i32
    %add3A_222 = arith.addi %add3A, %add3A_221 : i32
    %div3A_223 = arith.constant 16 : i32
    %div3A_224 = arith.divsi %add3A_222, %div3A_223 : i32
    %rem3A_225 = arith.constant 16 : i32
    %rem3A_226 = arith.remsi %add3A_222, %rem3A_225 : i32
    %mul3A_227 = arith.constant 63 : i32
    %mul3A_228 = arith.muli %rem3A_226, %mul3A_227 : i32
    %div3A_229 = arith.constant 15 : i32
    %div3A_230 = arith.divsi %mul3A_228, %div3A_229 : i32
    %lt3A_231 = arith.constant 48 : i32
    %lt3A_232 = arith.cmpi slt, %add3A_222, %lt3A_231 : i32
    %convert_element_type3A_233 = arith.extui %lt3A_232 : i1 to i32
    %cond3A_234 = arith.constant 0 : i32
    %cond3A_235 = arith.cmpi ne, %convert_element_type3A_233, %cond3A_234 : i32
    scf.if %cond3A_235 {
      %add3A_236 = arith.constant 32 : i32
      %add3A_237 = arith.addi %add3A, %add3A_236 : i32
      %div3A_238 = arith.constant 16 : i32
      %div3A_239 = arith.divsi %add3A_237, %div3A_238 : i32
      %rem3A_240 = arith.constant 16 : i32
      %rem3A_241 = arith.remsi %add3A_237, %rem3A_240 : i32
      %mul3A_242 = arith.constant 63 : i32
      %mul3A_243 = arith.muli %rem3A_241, %mul3A_242 : i32
      %div3A_244 = arith.constant 15 : i32
      %div3A_245 = arith.divsi %mul3A_243, %div3A_244 : i32
      %lt3A_246 = arith.constant 48 : i32
      %lt3A_247 = arith.cmpi slt, %add3A_237, %lt3A_246 : i32
      %dma_wait3A = arith.constant 128 : i32
      %dma_wait3A_248 = arith.constant 0 : i32
      %dma_wait3A_249 = tpu.memref_slice %arg3[%div3A_239, %rem3A_241, %dma_wait3A, %dma_wait3A_248] : memref<3x16x256x256xf32, #tpu.memory_space<hbm>> -> memref<1x1x128x256xf32, #tpu.memory_space<hbm>>
      %dma_wait3A_250 = tpu.memref_squeeze %dma_wait3A_249 : memref<1x1x128x256xf32, #tpu.memory_space<hbm>> -> memref<128x256xf32, #tpu.memory_space<hbm>>
      %dma_wait3A_251 = arith.constant 128 : i32
      %dma_wait3A_252 = arith.constant 0 : i32
      %dma_wait3A_253 = tpu.memref_slice %arg3[%div3A_239, %rem3A_241, %dma_wait3A_251, %dma_wait3A_252] : memref<3x16x256x256xf32, #tpu.memory_space<hbm>> -> memref<1x1x128x256xf32, #tpu.memory_space<hbm>>
      %dma_wait3A_254 = tpu.memref_squeeze %dma_wait3A_253 : memref<1x1x128x256xf32, #tpu.memory_space<hbm>> -> memref<128x256xf32, #tpu.memory_space<hbm>>
      tpu.wait_dma2 semaphore(%arg10 : memref<!tpu.dma_semaphore, #tpu.memory_space<semaphore_mem>>) src(%arg4 : memref<128x256xf32, #tpu.memory_space<vmem>>) dst(%dma_wait3A_254 : memref<128x256xf32, #tpu.memory_space<hbm>>)
    } else {
    }
    return
  }
}

module attributes {stable_mosaic.version = 14 : i64} {
  func.func @_tc_fast_body(%arg0: i32, %arg1: i32, %arg2: memref<1x32x256x256xf32, #tpu.memory_space<vmem>>, %arg3: memref<1x32x256x256xf32, #tpu.memory_space<vmem>>) attributes {dimension_semantics = [#tpu.dimension_semantics<arbitrary>, #tpu.dimension_semantics<arbitrary>], iteration_bounds = array<i64: 3, 2>, scalar_prefetch = 0 : i64, scratch_operands = 0 : i64, tpu.core_type = #tpu.core_type<tc>, window_params = [{transform_indices = @transform_0, window_bounds = array<i64: 1, 32, 256, 256>}, {transform_indices = @transform_1, window_bounds = array<i64: 1, 32, 256, 256>}]} {
    %get3A = arith.constant 0 : index
    %get3A_0 = arith.constant 0 : index
    %get3A_1 = arith.constant 0 : index
    %get3A_2 = arith.constant 0 : index
    %get3A_3 = vector.load %arg2[%get3A, %get3A_0, %get3A_1, %get3A_2] : memref<1x32x256x256xf32, #tpu.memory_space<vmem>>, vector<1x32x256x256xf32>
    %swap3A = arith.constant 0 : index
    %swap3A_4 = arith.constant 0 : index
    %swap3A_5 = arith.constant 0 : index
    %swap3A_6 = arith.constant 0 : index
    %swap3A_7 = vector.load %arg3[%swap3A, %swap3A_4, %swap3A_5, %swap3A_6] : memref<1x32x256x256xf32, #tpu.memory_space<vmem>>, vector<1x32x256x256xf32>
    tpu.vector_store %arg3[%swap3A, %swap3A_4, %swap3A_5, %swap3A_6], %get3A_3 {strides = array<i32>} : memref<1x32x256x256xf32, #tpu.memory_space<vmem>>, vector<1x32x256x256xf32>,
    return
  }
  func.func @transform_0(%arg0: i32, %arg1: i32) -> (i32, i32, i32, i32) {
    %c0_i32 = arith.constant 0 : i32
    %c0_i32_0 = arith.constant 0 : i32
    %c0_i32_1 = arith.constant 0 : i32
    return %arg0, %arg1, %c0_i32, %c0_i32_0 : i32, i32, i32, i32
  }
  func.func @transform_1(%arg0: i32, %arg1: i32) -> (i32, i32, i32, i32) {
    %c0_i32 = arith.constant 0 : i32
    %c0_i32_0 = arith.constant 0 : i32
    %c0_i32_1 = arith.constant 0 : i32
    return %arg0, %arg1, %c0_i32, %c0_i32_0 : i32, i32, i32, i32
  }
}

</mosaic_0001>

<sc_bundles>
// kernel: kernel.4.cloned.1.call-start
scs
__scs_entry_jumppad:
0x0: {  	(pc) =	sbr.rel $0x88, $3  }
0x1: {  	(tag) =	ssettag $0x0;
	lr =	simm.s32 $0x1  }
0x2: {  	[smem:$0x3FA0] =	sst lr;
	_ =	strace $0xD0000000  }
0x3: {  	_ = 	snop  }
0x4: {  	_ = 	snop  }
0x5: {  	_ = 	snop  }
0x6: {  	_ = 	snop  }
0x7: {  	_ = 	snop  }
__scs_overlays_trampoline_lowered:
0x8: {  	[smem:$0x3FAF] =	sst s0  }
0x9: {  	[smem:$0x3FB0] =	sst s1  }
0xa: {  	[smem:$0x3FB1] =	sst s2  }
0xb: {  	[smem:$0x3FB2] =	sst s3  }
0xc: {  	[smem:$0x3FB3] =	sst s4  }
0xd: {  	[smem:$0x3FB4] =	sst s5  }
0xe: {  	[smem:$0x3FB5] =	sst s6  }
0xf: {  	[smem:$0x3FB6] =	sst s7  }
0x10: {  	[smem:$0x3FB7] =	sst s8  }
0x11: {  	[smem:$0x3FB8] =	sst s9;
	s0 =	simm.s32 @!p0 $0x0  }
0x12: {  	s1 =	sld [smem:$0x3F9E];
	s0 =	simm.s32 @p0 $0x1  }
0x13: {  	[smem:$0x3FB9] =	sst s0;
	s0 =	simm.s32 @!p1 $0x0  }
0x14: {  	s2 =	sld [smem:$0x3F9D];
	s0 =	simm.s32 @p1 $0x1  }
0x15: {  	[smem:$0x3FBA] =	sst s0;
	s0 =	simm.s32 @!p2 $0x0  }
0x16: {  	s3 =	sld [smem:$0x3FDB];
	s0 =	simm.s32 @p2 $0x1  }
0x17: {  	s4 =	simm.s32 $0x1BF5;
	[smem:$0x3FBC] =	sst s0  }
0x18: {  	s0 =	sld [smem:$0x3F9F];
	_ =	swait.ge [sflag:s4], $0x0  }
0x19: {  	s7 =	sld [smem:$0x3FA0]  }
0x1a: {  	s8 =	sadd.s32 $0xFFFFE003, lr  }
0x1b: {  	s9 =	sadd.s32 $0xFFFFFEF7, lr;
	s5 =	simm.s32 $0xFFFFFFFF;
	p2 =	slt.u32 s8, $0xFFFFF086  }
0x1c: {  	p1 =	slt.u32 s9, $0xF7A;
	s5 =	simm.s32 @!p2 $0x0  }
0x1d: {  	s5 =	simm.s32 @p1 $0x1;
	p0 =	seq.s32 s7, s2  }
0x1e: {  	s7 =	smul.u32 @!p0 $0xF7A, s2;
	p2 =	seq.s32 @!p0 s5, $0x0  }
0x1f: {  	s9 =	smul.u32 $0xF7A, s1;
	s8 =	simm.s32 @!p0 $0x1BF5;
	p2 =	por !p2, p0  }
0x20: {  	[sflag:s8] =	ssyncset.s32 @!p0 $0xFFFFF086;
	s6 =	sadd.s32 @!p0 s3, s7;
	s7 =	simm.s32 @!p0 $0x108  }
0x21: {  	s3 =	sadd.s32 s3, s9;
	s6 =	sadd.s32 @!p0 $0x88, s6;
	s7 =	simm.s32 @p2 $0x1082  }
0x22: {  	[simem:s7], [sflag:s8] =	dma.local @!p0 [hbm:s6], $0xF7A  }
0x23: {  	s9 =	sor.u32 $0xD0000000, s2;
	s6 =	simm.s32 $0x108;
	_ =	swait.ge @!p0 [sflag:s8], $0x0  }
0x24: {  	s3 =	sadd.s32 $0x88, s3;
	s6 =	simm.s32 @!p1 $0x1082;
	[sflag:s4] =	ssyncset.s32 $0xFFFFF086  }
0x25: {  	[simem:s6], [sflag:s4] =	dma.local [hbm:s3], $0xF7A  }
0x26: {  	[smem:$0x3FA0] =	sst s1;
	(tag) =	ssettag s2;
	_ =	strace s9  }
0x27: {  	s1 =	sld [smem:$0x3FB0]  }
0x28: {  	s2 =	sld [smem:$0x3FB1]  }
0x29: {  	s4 =	sld [smem:$0x3FB3]  }
0x2a: {  	p0 =	seq.s32 s5, $0x0;
	s5 =	sld [smem:$0x3FB4]  }
0x2b: {  	s6 =	sld [smem:$0x3FB5]  }
0x2c: {  	s7 =	sld [smem:$0x3FB6]  }
0x2d: {  	s3 =	simm.s32 $0x108;
	s8 =	sld [smem:$0x3FB7]  }
0x2e: {  	s3 =	simm.s32 @!p0 $0x1082;
	s9 =	sld [smem:$0x3FB8]  }
0x2f: {  	lr =	sadd.s32 s0, s3;
	s0 =	sld [smem:$0x3FAF]  }
0x30: {  	s3 =	sld [smem:$0x3FB2]  }
0x31: {  	[smem:$0x3FBB] =	sst s10  }
0x32: {  	s10 =	sld [smem:$0x3FB9];
	_ =	sdelay $0x3  }
0x33: {  	p0 =	seq.s32 s10, $0x1;
	s10 =	sld [smem:$0x3FBB];
	_ =	sdelay $0x3  }
0x34: {  	[smem:$0x3FBB] =	sst s10  }
0x35: {  	s10 =	sld [smem:$0x3FBA];
	_ =	sdelay $0x3  }
0x36: {  	p1 =	seq.s32 s10, $0x1;
	s10 =	sld [smem:$0x3FBB];
	_ =	sdelay $0x3  }
0x37: {  	[smem:$0x3FBB] =	sst s10  }
0x38: {  	s10 =	sld [smem:$0x3FBC]  }
0x39: {  	_ = 	snop;
	(pc) =	sbr.ind lr, $3  }
0x3a: {  	_ = 	snop  }
0x3b: {  	_ = 	snop  }
0x3c: {  	p2 =	seq.s32 s10, $0x1;
	s10 =	sld [smem:$0x3FBB]  }
0x3d: {  	_ =	shalt  }
0x3e: {  	_ =	shalt  }
0x3f: {  	_ =	shalt  }
0x40: {  	_ =	shalt  }
0x41: {  	_ =	shalt  }
0x42: {  	_ =	shalt  }
0x43: {  	_ =	shalt  }
0x44: {  	_ =	shalt  }
0x45: {  	_ =	shalt  }
0x46: {  	_ =	shalt  }
0x47: {  	_ =	shalt  }
0x48: {  	_ =	shalt  }
0x49: {  	_ =	shalt  }
0x4a: {  	_ =	shalt  }
0x4b: {  	_ =	shalt  }
0x4c: {  	_ =	shalt  }
0x4d: {  	_ =	shalt  }
0x4e: {  	_ =	shalt  }
0x4f: {  	_ =	shalt  }
0x50: {  	_ =	shalt  }
0x51: {  	_ =	shalt  }
0x52: {  	_ =	shalt  }
0x53: {  	_ =	shalt  }
0x54: {  	_ =	shalt  }
0x55: {  	_ =	shalt  }
0x56: {  	_ =	shalt  }
0x57: {  	_ =	shalt  }
0x58: {  	_ =	shalt  }
0x59: {  	_ =	shalt  }
0x5a: {  	_ =	shalt  }
0x5b: {  	_ =	shalt  }
0x5c: {  	_ =	shalt  }
0x5d: {  	_ =	shalt  }
0x5e: {  	_ =	shalt  }
0x5f: {  	_ =	shalt  }
0x60: {  	_ =	shalt  }
0x61: {  	_ =	shalt  }
0x62: {  	_ =	shalt  }
0x63: {  	_ =	shalt  }
0x64: {  	_ =	shalt  }
0x65: {  	_ =	shalt  }
0x66: {  	_ =	shalt  }
0x67: {  	_ =	shalt  }
0x68: {  	_ =	shalt  }
0x69: {  	_ =	shalt  }
0x6a: {  	_ =	shalt  }
0x6b: {  	_ =	shalt  }
0x6c: {  	_ =	shalt  }
0x6d: {  	_ =	shalt  }
0x6e: {  	_ =	shalt  }
0x6f: {  	_ =	shalt  }
0x70: {  	_ =	shalt  }
0x71: {  	_ =	shalt  }
0x72: {  	_ =	shalt  }
0x73: {  	_ =	shalt  }
0x74: {  	_ =	shalt  }
0x75: {  	_ =	shalt  }
0x76: {  	_ =	shalt  }
0x77: {  	_ =	shalt  }
0x78: {  	_ =	shalt  }
0x79: {  	_ =	shalt  }
0x7a: {  	_ =	shalt  }
0x7b: {  	_ =	shalt  }
0x7c: {  	_ =	shalt  }
0x7d: {  	_ =	shalt  }
0x7e: {  	_ =	shalt  }
0x7f: {  	_ =	shalt  }
0x80: {  	_ =	shalt  }
0x81: {  	_ =	shalt  }
0x82: {  	_ =	shalt  }
0x83: {  	_ =	shalt  }
0x84: {  	_ =	shalt  }
0x85: {  	_ =	shalt  }
0x86: {  	_ =	shalt  }
0x87: {  	_ =	shalt  }
.Lfunc_end0:
.L_simem_size_0:
called_computation_lowered:
.L_overlay_start_0:
0x88: {  	s2 =	sld [smem:$0x3FD9]  }
0x89: {  	s3 =	sld [smem:$0x3FFE];
	_ =	sdelay $0x1  }
0x8a: {  	s1 =	srdreg.scid  }
0x8b: {  	s0 =	sand.u32 $0x1, s1  }
0x8c: {  	s15 =	sshll.u32 s0, $0xA;
	s2 =	sadd.s32 s3, s2  }
0x8d: {  	s2 =	sadd.s32 s2, s15  }
0x8e: {  	[smem:$0x3FC7] =	sst s2  }
0x8f: {  	_ = 	snop  }
0x90: {  	s2 =	sld [smem:$0x3FD0];
	_ =	sdelay $0x2  }
0x91: {  	s4 =	simm.s32 $0xA;
	s5 =	simm.s32 $0x10;
	s16 =	sld [smem:$0x3FC9]  }
0x92: {  	[smem:s5], [sflag:s4] =	dma.local [hbm:s2], $0x1  }
0x93: {  	_ =	swait.eq [sflag:s4], $0x1  }
0x94: {  	[sflag:s4] =	ssyncset.done $0x0  }
0x95: {  	[sflag:s4] =	ssyncadd.s32 $0xFFFFFFFF  }
0x96: {  	s17 =	sld [smem:$0x10];
	(tm) =	ssettm $0x1  }
0x97: {  	s18 =	sld [smem:$0x3FFB];
	_ =	sdelay $0x3  }
0x98: {  	_ =	strace s18  }
0x99: {  	s4 =	sld [smem:$0x3FFC];
	_ =	sdelay $0x3  }
0x9a: {  	_ =	strace s4  }
0x9b: {  	s4 =	sld [smem:$0x3FFD];
	_ =	sdelay $0x3  }
0x9c: {  	_ =	strace s4  }
0x9d: {  	_ =	strace $0x8FFFFFFF  }
0x9e: {  	s19 =	sld [smem:$0x3FDB];
	_ =	sdelay $0x1  }
0x9f: {  	s20 =	simm.s32 $_scs_section_size  }
0xa0: {  	s6 =	simm.s32 $_size__tile_overlayer_lowered;
	s7 =	simm.s32 $_tile_overlayer_lowered  }
0xa1: {  	s23 =	simm.s32 $0x1BFF;
	s22 =	sshll.u32 s7, $0x1;
	s4 =	sadd.s32 s20, s19  }
0xa2: {  	s8 =	simm.s32 $0x0;
	s21 =	sshll.u32 s6, $0x1;
	s6 =	sadd.s32 s22, s4  }
0xa3: {  	[timem:s8], [sflag:s23] =	dma.local [hbm:s6], s21  }
0xa4: {  	_ =	swait.ge [sflag:s23], s21  }
0xa5: {  	s5 =	ssub.s32 $0x0, s21;
	[sflag:s23] =	ssyncset.done $0x0  }
0xa6: {  	[sflag:s23] =	ssyncadd.s32 s5;
	_ =	sdelay $0x1  }
0xa7: {  	s24 =	simm.s32 $0x1B8B  }
0xa8: {  	_ =	swait.ge [sflag:s24], $0x1  }
0xa9: {  	[sflag:s24] =	ssyncset.done $0x0  }
0xaa: {  	s25 =	simm.s32 $0x1B8E;
	[sflag:s24] =	ssyncadd.s32 $0xFFFFFFFF  }
0xab: {  	s26 =	simm.s32 $execute0_lowered;
	[smem:$0x3FD2] =	sst s25  }
0xac: {  	s5 =	sshll.u32 s26, $0x1;
	_ =	strace $0x80000046;
	[dreg:$0x1] =	wrdreg $0xFFFFFFFF  }
0xad: {  	s28 =	simm.s32 $_size_execute0_lowered;
	s4 =	sadd.s32 s4, s5;
	[dreg:$0x0] =	wrdreg $0x0  }
0xae: {  	s5 =	sshll.u32 s28, $0x1;
	[dreg:$0x2] =	wrdreg s4  }
0xaf: {  	[dreg:$0x3] =	wrdreg s5  }
0xb0: {  	[dreg:$0x4] =	wrdreg $0xC0  }
0xb1: {  	_ =	task [dreg:s8], $0x5FFFF  }
0xb2: {  	[dreg:$0x1] =	wrdreg $0xFFFFFFFF  }
0xb3: {  	[dreg:$0x0] =	wrdreg $0x60  }
0xb4: {  	[dreg:$0x2] =	wrdreg s16  }
0xb5: {  	[dreg:$0x3] =	wrdreg s17  }
0xb6: {  	[dreg:$0x4] =	wrdreg $0x9  }
0xb7: {  	_ =	task.clear_ibuf [dreg:s8], $0x5FFFF;
	_ =	strace $0x90000046  }
0xb8: {  	s29 =	simm.s32 $0x9;
	_ =	strace $0x80000048  }
0xb9: {  	_ =	swait.ge [sflag:s29], $0x1  }
0xba: {  	[sflag:s29] =	ssyncadd.s32 $0xFFFFFFFF  }
0xbb: {  	_ =	strace $0x90000048  }
0xbc: {  	_ =	sfence  }
0xbd: {  	s30 =	sld [smem:$0x0];
	_ =	sdelay $0x2  }
0xbe: {  	s31 =	sshll.u32 s1, $0xD;
	s1 =	sshrl.u32 s1, $0x2  }
0xbf: {  	s3 =	sand.u32 $0x4000, s31;
	s1 =	sadd.s32 s1, s30  }
0xc0: {  	s0 =	sor.u32 s3, s0;
	s1 =	sshll.u32 s1, $0x11  }
0xc1: {  	s0 =	sor.u32 s1, s0  }
0xc2: {  	s0 =	sadd.s32 $0x8F2B, s0  }
0xc3: {  	[sflag:s0] =	ssyncadd.remote.s32 $0x1  }
0xc4: {  	_ =	sfence.sel $0xFFFF  }
0xc5: {  	[dreg:$0x0] =	wrdreg $0xFFFFFFFF;
	(pc) =	sbr.abs _section_cstart, $3  }
0xc6: {  	[dreg:$0x1] =	wrdreg $0xFFFFFFFF  }
0xc7: {  	_ =	task.clear_ibuf [dreg:s8], $0x2FFFF;
	_ =	strace $0x9FFFFFFF  }
0xc8: {  	(tm) =	ssettm $0x7FFFFFFF  }
0xc9: {  	_ =	shalt  }
tec
execute0_lowered:
.L_overlay_start_1:
0x0: {  	(tag) =	ssettag $0x1  }
0x1: {  	s1 =	srdreg.scid;
	s0 =	stileid.u32  }
0x2: {  	s20 =	sand.u32 $0x1, s1;
	s31 =	sshll.u32 s0, $0x1  }
0x3: {  	s10 =	sor.u32 s20, s31  }
0x4: {  	s1 =	sand.u32 $0xF, s10  }
0x5: {  	s5 =	rddreg [dreg:$0x0];
	s1 =	smul.u32 $0x4336E, s1  }
0x6: {  	s11 =	rddreg [dreg:$0x1]  }
0x7: {  	s7 =	simm.s32 $0x1;
	s2 =	sshll.u32 s0, $0x10;
	s1 =	sshrl.u32 s1, $0x3  }
0x8: {  	s3 =	sand.u32 $0x80000, s2;
	s2 =	simm.s32 $0x0;
	s6 =	sand.u32 $0x7E000, s1  }
0x9: {  	p0 =	sgt.u32 s0, $0x7;
	[smem:$0x7FF] =	sst s2;
	s3 =	sor.u32 s3, s6  }
0xa: {  	s1 =	rddreg [dreg:$0x2];
	_ =	strace $0x80000047;
	s3 =	sadd.s32 s5, s3  }
0xb: {  	[tilespmem:s2], [sflag:$0x1] =	stream.linear.gather [hbm4b:s3+s2], $0x8000, $0x38;
	[tilespmem:$0x18000] =	vst v63  }
0xc: {  	s16 =	sadd.s32 s6, s5;
	s6 =	simm.s32 $0x8000;
	s4 =	sadd.s32 $0x1000, s3  }
0xd: {  	[tilespmem:s6], [sflag:$0x2] =	stream.linear.gather [hbm4b:s4+s2], $0x8000, $0x38;
	[tilespmem:$0x18000] =	vst v63  }
0xe: {  	s8 =	simm.s32 @!p0 $0x0;
	s9 =	simm.s32 @!p0 $0x10000;
	s5 =	sadd.s32 $0x100000, s16  }
0xf: {  	[tilespmem:s9], [sflag:$0x3] =	stream.linear.gather @!p0 [hbm4b:s5+s8], $0x8000, $0x38;
	[tilespmem:$0x18000] =	vst v63  }
0x10: {  	_ =	swait.ge [sflag:s7], $0x8000  }
0x11: {  	s10 =	sshll.u32 s10, $0xD;
	[sflag:s7] =	ssyncset.done $0x0  }
0x12: {  	s10 =	sadd.s32 s11, s10;
	s11 =	simm.s32 $0x2;
	[sflag:s7] =	ssyncadd.s32 $0xFFFF8000  }
0x13: {  	[hbm4b:s10+s2] =	stream.linear.scatter [tilespmem:s2], [sflag:$0x4], $0x8000, $0x38;
	[tilespmem:$0x18000] =	vst v63  }
0x14: {  	_ =	swait.ge [sflag:s11], $0x8000  }
0x15: {  	[sflag:s11] =	ssyncset.done $0x0  }
0x16: {  	s13 =	simm.s32 @!p0 $0x3;
	s12 =	sadd.s32 $0x1000, s10;
	[sflag:s11] =	ssyncadd.s32 $0xFFFF8000  }
0x17: {  	[hbm4b:s12+s2] =	stream.linear.scatter [tilespmem:s6], [sflag:$0x5], $0x8000, $0x38;
	[tilespmem:$0x18000] =	vst v63  }
0x18: {  	_ =	swait.ge @!p0 [sflag:s13], $0x8000  }
0x19: {  	[sflag:s13] =	ssyncset.done @!p0 $0x0  }
0x1a: {  	s15 =	simm.s32 @!p0 $0x4;
	s14 =	sadd.s32 $0x40000, s10;
	[sflag:s13] =	ssyncadd.s32 @!p0 $0xFFFF8000  }
0x1b: {  	[hbm4b:s14+s8] =	stream.linear.scatter @!p0 [tilespmem:s9], [sflag:$0x6], $0x8000, $0x38;
	[tilespmem:$0x18000] =	vst v63  }
0x1c: {  	_ =	swait.ge @!p0 [sflag:s15], $0x8000  }
0x1d: {  	[sflag:s15] =	ssyncset.done @!p0 $0x0  }
0x1e: {  	s17 =	simm.s32 @!p0 $0x1;
	s16 =	sadd.s32 $0x101000, s16;
	[sflag:s15] =	ssyncadd.s32 @!p0 $0xFFFF8000  }
0x1f: {  	[tilespmem:s8], [sflag:$0x1] =	stream.linear.gather @!p0 [hbm4b:s16+s8], $0x8000, $0x38;
	[tilespmem:$0x18000] =	vst v63  }
0x20: {  	s21 =	ssub.s32 $0x2, s20;
	_ =	swait.ge @!p0 [sflag:s17], $0x8000  }
0x21: {  	s19 =	simm.s32 @!p0 $0x5;
	s22 =	sshrl.u32 s21, $0x1;
	[sflag:s17] =	ssyncset.done @!p0 $0x0  }
0x22: {  	s21 =	ssub.s32 s21, s22;
	s18 =	sadd.s32 $0x41000, s10;
	[sflag:s17] =	ssyncadd.s32 @!p0 $0xFFFF8000  }
0x23: {  	[hbm4b:s18+s8] =	stream.linear.scatter @!p0 [tilespmem:s8], [sflag:$0x4], $0x8000, $0x38;
	[tilespmem:$0x18000] =	vst v63  }
0x24: {  	s22 =	smax.u32 s21, $0x1;
	_ =	swait.ge @!p0 [sflag:s19], $0x8000  }
0x25: {  	s20 =	simm.s32 @!p0 $0x6;
	s22 =	sadd.s32 $0xFFFFFFFF, s22;
	[sflag:s19] =	ssyncset.done @!p0 $0x0  }
0x26: {  	s20 =	simm.s32 @p0 $0x4;
	p1 =	sne.s32 s22, $0x0;
	[sflag:s19] =	ssyncadd.s32 @!p0 $0xFFFF8000  }
.Ltmp0:
0x27: {  	_ =	swait.ge [sflag:s20], $0x8000;
	(pc) =	sbr.rel @!p1 .LBB2_2-.Ltmp0, $4  }
0x28: {  	s21 =	simm.s32 @!p0 $0x4;
	[sflag:s20] =	ssyncset.done $0x0  }
0x29: {  	s21 =	simm.s32 @p0 $0x5;
	[sflag:s20] =	ssyncadd.s32 $0xFFFF8000  }
0x2a: {  	_ =	swait.ge [sflag:s21], $0x8000  }
0x2b: {  	[sflag:s21] =	ssyncset.done $0x0  }
.LBB2_1:
0x2c: {  	s22 =	sadd.s32 $0xFFFFFFFF, s22;
	[sflag:s21] =	ssyncadd.s32 $0xFFFF8000  }
0x2d: {  	[tilespmem:s2], [sflag:$0x1] =	stream.linear.gather [hbm4b:s3+s2], $0x8000, $0x38;
	[tilespmem:$0x18000] =	vst v63  }
0x2e: {  	p1 =	sne.s32 s22, $0x0  }
0x2f: {  	[tilespmem:s6], [sflag:$0x2] =	stream.linear.gather [hbm4b:s4+s2], $0x8000, $0x38;
	[tilespmem:$0x18000] =	vst v63  }
0x30: {  	_ = 	snop  }
0x31: {  	[tilespmem:s9], [sflag:$0x3] =	stream.linear.gather @!p0 [hbm4b:s5+s8], $0x8000, $0x38;
	[tilespmem:$0x18000] =	vst v63  }
0x32: {  	_ =	swait.ge [sflag:s7], $0x8000  }
0x33: {  	[sflag:s7] =	ssyncset.done $0x0  }
0x34: {  	[sflag:s7] =	ssyncadd.s32 $0xFFFF8000  }
0x35: {  	[hbm4b:s10+s2] =	stream.linear.scatter [tilespmem:s2], [sflag:$0x4], $0x8000, $0x38;
	[tilespmem:$0x18000] =	vst v63  }
0x36: {  	_ =	swait.ge [sflag:s11], $0x8000  }
0x37: {  	[sflag:s11] =	ssyncset.done $0x0  }
0x38: {  	[sflag:s11] =	ssyncadd.s32 $0xFFFF8000  }
0x39: {  	[hbm4b:s12+s2] =	stream.linear.scatter [tilespmem:s6], [sflag:$0x5], $0x8000, $0x38;
	[tilespmem:$0x18000] =	vst v63  }
0x3a: {  	_ =	swait.ge @!p0 [sflag:s13], $0x8000  }
0x3b: {  	[sflag:s13] =	ssyncset.done @!p0 $0x0  }
0x3c: {  	[sflag:s13] =	ssyncadd.s32 @!p0 $0xFFFF8000  }
0x3d: {  	[hbm4b:s14+s8] =	stream.linear.scatter @!p0 [tilespmem:s9], [sflag:$0x6], $0x8000, $0x38;
	[tilespmem:$0x18000] =	vst v63  }
0x3e: {  	_ =	swait.ge @!p0 [sflag:s15], $0x8000  }
0x3f: {  	[sflag:s15] =	ssyncset.done @!p0 $0x0  }
0x40: {  	[sflag:s15] =	ssyncadd.s32 @!p0 $0xFFFF8000  }
0x41: {  	[tilespmem:s8], [sflag:$0x1] =	stream.linear.gather @!p0 [hbm4b:s16+s8], $0x8000, $0x38;
	[tilespmem:$0x18000] =	vst v63  }
0x42: {  	_ =	swait.ge @!p0 [sflag:s17], $0x8000  }
0x43: {  	[sflag:s17] =	ssyncset.done @!p0 $0x0  }
0x44: {  	[sflag:s17] =	ssyncadd.s32 @!p0 $0xFFFF8000  }
0x45: {  	[hbm4b:s18+s8] =	stream.linear.scatter @!p0 [tilespmem:s8], [sflag:$0x4], $0x8000, $0x38;
	[tilespmem:$0x18000] =	vst v63  }
0x46: {  	_ =	swait.ge @!p0 [sflag:s19], $0x8000  }
0x47: {  	[sflag:s19] =	ssyncset.done @!p0 $0x0  }
0x48: {  	[sflag:s19] =	ssyncadd.s32 @!p0 $0xFFFF8000  }
.Ltmp1:
0x49: {  	_ =	swait.ge [sflag:s20], $0x8000;
	(pc) =	sbr.rel @p1 .LBB2_1-.Ltmp1, $4  }
0x4a: {  	[sflag:s20] =	ssyncset.done $0x0  }
0x4b: {  	[sflag:s20] =	ssyncadd.s32 $0xFFFF8000  }
0x4c: {  	_ =	swait.ge [sflag:s21], $0x8000  }
0x4d: {  	[sflag:s21] =	ssyncset.done $0x0  }
.LBB2_2:
0x4e: {  	[sflag:s21] =	ssyncadd.s32 $0xFFFF8000  }
0x4f: {  	_ =	sfence.sel $0x180000  }
0x50: {  	[bflag:$0x0] =	sbarrier.arrive $0xFFFF  }
0x51: {  	p0 =	sne.s32 s0, $0x0;
	_ =	strace $0x90000047  }
0x52: {  	s0 =	sadd.s32 @!p0 $0x100000, s1;
	[bflag:$0x2] =	sbarrier.arrive $0xFFFF  }
0x53: {  	[sflag:s0] =	ssyncadd.tile.s32 @!p0 $0x1;
	_ =	shalt  }
.Lfunc_end2:
_tile_overlayer_lowered:
.L_overlay_start_2:
0x54: {  	(tag) =	ssettag $0x2  }
0x55: {  	s0 =	rddreg [dreg:$0x0];
	s2 =	stileid.u32  }
0x56: {  	s1 =	rddreg [dreg:$0x1];
	p0 =	sne.s32 s2, $0x0  }
0x57: {  	s3 =	rddreg [dreg:$0x2];
	[bflag:$0x3] =	sbarrier.arrive $0xFFFF;
	s2 =	simm.s32 @!p0 $0x1C07  }
0x58: {  	[timem:s3], [sflag:s2] =	dma.local @!p0 [hbm:s0], s1  }
0x59: {  	s0 =	simm.s32 @!p0 $0x7  }
0x5a: {  	_ =	swait.ge @!p0 [sflag:s0], s1  }
0x5b: {  	s1 =	ssub.s32 @!p0 $0x0, s1;
	[sflag:s0] =	ssyncset.done @!p0 $0x0  }
0x5c: {  	[sflag:s0] =	ssyncadd.s32 @!p0 s1  }
0x5d: {  	[bflag:$0x3] =	sbarrier.arrive $0xFFFF  }
0x5e: {  	_ =	shalt  }

</sc_bundles>
